<compile_context>
chip_gen: v7x
topology: tpu7x:2x2x1
jax: 0.10.2.dev20260603
libtpu: 0.0.44.dev20260713+nightly
codegen_flags: <defaults>
</compile_context>

<pallas_src>
import jax
import jax.numpy as jnp
from jax import lax
from jax.experimental import pallas as pl
from jax.experimental.pallas import tpu as pltpu
from jax.experimental.pallas import tpu_sc as plsc

N_V = 10000
N_E = 20000
NNZ = 320000
D = 128
DH = 64
NS = 16
IB = 125
NROW = NNZ // IB
R_T = NROW // NS
E_PAD = 20480
V_PAD = 10240
E_T = E_PAD // NS
V_T = V_PAD // NS
ER_T = N_E // NS
VR_T = N_V // NS
CH = 40

_f32 = jnp.float32
_i32 = jnp.int32


def _zeros16():
    return jnp.zeros((16,), _f32)


def _counts_body(vidx, eidx, rce_hbm, rcv_hbm, idx_buf, ones_buf, dbuf,
                 cnt_sh):
    c = lax.axis_index("c")
    s = lax.axis_index("s")

    def _z(i, carry):
        dbuf[i] = _zeros16()
        return carry
    lax.fori_loop(0, E_T, _z, 0)
    pltpu.sync_copy(dbuf, cnt_sh.at[pl.ds(s * E_T, E_T)])

    def _o(i, carry):
        ones_buf[i] = jnp.ones((16,), _f32)
        return carry
    lax.fori_loop(0, IB, _o, 0)

    @pl.when(c == 0)
    def _():
        pltpu.sync_copy(eidx.at[pl.ds(s * R_T, R_T)], idx_buf)

    @pl.when(c == 1)
    def _():
        pltpu.sync_copy(vidx.at[pl.ds(s * R_T, R_T)], idx_buf)

    plsc.subcore_barrier()

    def _sc(j, carry):
        pltpu.sync_copy(ones_buf, cnt_sh.at[idx_buf.at[j]], add=True)
        return carry
    lax.fori_loop(0, R_T, _sc, 0)

    plsc.subcore_barrier()

    def _extract(nrows, base, out_ref):
        pltpu.sync_copy(cnt_sh.at[pl.ds(base, nrows)], dbuf.at[pl.ds(0, nrows)])

        def _r(r, carry):
            dbuf[r] = 1.0 / jnp.maximum(dbuf[r], 1.0)
            return carry
        lax.fori_loop(0, nrows, _r, 0)
        pltpu.sync_copy(dbuf.at[pl.ds(0, nrows)], out_ref.at[pl.ds(base, nrows)])

    @pl.when(c == 0)
    def _():
        _extract(E_T, s * E_T, rce_hbm)

    @pl.when(c == 1)
    def _():
        _extract(V_T, s * V_T, rcv_hbm)


@jax.jit
def _counts(vidx2, eidx2):
    return pl.kernel(
        _counts_body,
        out_type=(
            jax.ShapeDtypeStruct((E_PAD, 16), _f32),
            jax.ShapeDtypeStruct((V_PAD, 16), _f32),
        ),
        mesh=plsc.VectorSubcoreMesh(core_axis_name="c", subcore_axis_name="s"),
        compiler_params=pltpu.CompilerParams(use_tc_tiling_on_sc=False),
        scratch_types=[
            pltpu.VMEM((R_T, IB), _i32),
            pltpu.VMEM((IB, 16), _f32),
            pltpu.VMEM((E_T, 16), _f32),
            pltpu.VMEM_SHARED((E_PAD, 16), _f32),
        ],
    )(vidx2, eidx2)


def _v2v_body(vidx, eidx, h0, h1, rce, m0, m1, xe0, xe1,
              vbuf, ebuf, r0, r1, r2, r3, rbuf, acc,
              g0, g1, g2, g3, s0, s1, s2, s3):
    c = lax.axis_index("c")
    s = lax.axis_index("s")
    bufs = (r0, r1, r2, r3)
    gsems = (g0, g1, g2, g3)
    ssems = (s0, s1, s2, s3)
    rows = r0

    def _zero_rows():
        def _z(i, carry):
            for k in range(DH // 16):
                rows[i, pl.ds(k * 16, 16)] = _zeros16()
            return carry
        lax.fori_loop(0, IB, _z, 0)

    _zero_rows()

    def _ze(i, carry):
        pltpu.sync_copy(rows, acc.at[pl.ds(s * ER_T + i * IB, IB)])
        return carry
    lax.fori_loop(0, ER_T // IB, _ze, 0)
    plsc.subcore_barrier()

    def _hop(src_hbm, gbuf, sbuf):
        def grp(g, carry):
            base = s * R_T + g * CH
            pltpu.sync_copy(vidx.at[pl.ds(base, CH)], vbuf)
            pltpu.sync_copy(eidx.at[pl.ds(base, CH)], ebuf)
            for i in range(3):
                pltpu.async_copy(src_hbm.at[gbuf.at[i]], bufs[i], gsems[i])

            def quad(k, carry2):
                for i in range(4):
                    j = 4 * k + i
                    pi = (i - 1) % 4
                    pltpu.make_async_copy(
                        src_hbm.at[gbuf.at[0]], bufs[i], gsems[i]).wait()
                    pltpu.async_copy(
                        bufs[i], acc.at[sbuf.at[j]], ssems[i], add=True)

                    @pl.when(j >= 1)
                    def _():
                        pltpu.make_async_copy(
                            bufs[pi], acc.at[sbuf.at[0]], ssems[pi]).wait()

                    @pl.when(j + 3 < CH)
                    def _():
                        pltpu.async_copy(
                            src_hbm.at[gbuf.at[j + 3]], bufs[pi], gsems[pi])
                return carry2
            lax.fori_loop(0, CH // 4, quad, 0)
            pltpu.make_async_copy(bufs[3], acc.at[sbuf.at[0]], ssems[3]).wait()
            return carry
        lax.fori_loop(0, R_T // CH, grp, 0)

    def _p1(h_ref):
        _hop(h_ref, vbuf, ebuf)

    @pl.when(c == 0)
    def _():
        _p1(h0)

    @pl.when(c == 1)
    def _():
        _p1(h1)

    plsc.subcore_barrier()

    def _p2(xe_ref):
        def blk(i, carry):
            base = s * ER_T + i * IB
            pltpu.sync_copy(acc.at[pl.ds(base, IB)], r1)
            pltpu.sync_copy(rce.at[pl.ds(base, IB)], rbuf)

            def rowstep(r, carry2):
                spl = rbuf[r]
                for k in range(DH // 16):
                    r1[r, pl.ds(k * 16, 16)] = (
                        r1[r, pl.ds(k * 16, 16)] * spl)
                return carry2
            lax.fori_loop(0, IB, rowstep, 0)
            pltpu.sync_copy(r1, xe_ref.at[pl.ds(base, IB)])
            return carry
        lax.fori_loop(0, ER_T // IB, blk, 0)

    @pl.when(c == 0)
    def _():
        _p2(xe0)

    @pl.when(c == 1)
    def _():
        _p2(xe1)

    plsc.subcore_barrier()

    _zero_rows()

    def _zv(i, carry):
        pltpu.sync_copy(rows, acc.at[pl.ds(s * VR_T + i * IB, IB)])
        return carry
    lax.fori_loop(0, VR_T // IB, _zv, 0)
    plsc.subcore_barrier()

    def _p3(xe_ref):
        _hop(xe_ref, ebuf, vbuf)

    @pl.when(c == 0)
    def _():
        _p3(xe0)

    @pl.when(c == 1)
    def _():
        _p3(xe1)

    plsc.subcore_barrier()

    @pl.when(c == 0)
    def _():
        pltpu.sync_copy(acc.at[pl.ds(s * VR_T, VR_T)],
                        m0.at[pl.ds(s * VR_T, VR_T)])

    @pl.when(c == 1)
    def _():
        pltpu.sync_copy(acc.at[pl.ds(s * VR_T, VR_T)],
                        m1.at[pl.ds(s * VR_T, VR_T)])


@jax.jit
def _v2v(vidx2, eidx2, h0, h1, rce):
    return pl.kernel(
        _v2v_body,
        out_type=(
            jax.ShapeDtypeStruct((N_V, DH), _f32),
            jax.ShapeDtypeStruct((N_V, DH), _f32),
            jax.ShapeDtypeStruct((N_E, DH), _f32),
            jax.ShapeDtypeStruct((N_E, DH), _f32),
        ),
        mesh=plsc.VectorSubcoreMesh(core_axis_name="c", subcore_axis_name="s"),
        compiler_params=pltpu.CompilerParams(use_tc_tiling_on_sc=False),
        scratch_types=[
            pltpu.VMEM((CH, IB), _i32),
            pltpu.VMEM((CH, IB), _i32),
            pltpu.VMEM((IB, DH), _f32),
            pltpu.VMEM((IB, DH), _f32),
            pltpu.VMEM((IB, DH), _f32),
            pltpu.VMEM((IB, DH), _f32),
            pltpu.VMEM((IB, 16), _f32),
            pltpu.VMEM_SHARED((N_E, DH), _f32),
        ] + [pltpu.SemaphoreType.DMA] * 8,
    )(vidx2, eidx2, h0, h1, rce)


_BM = 1000


def _mm1_body(x_ref, w_ref, b_ref, o0_ref, o1_ref):
    h = jnp.dot(x_ref[...], w_ref[...], preferred_element_type=_f32)
    h = jnp.maximum(h + b_ref[...], 0.0)
    o0_ref[...] = h[:, :DH]
    o1_ref[...] = h[:, DH:]


@jax.jit
def _mm1(x, w1, b1):
    return pl.pallas_call(
        _mm1_body,
        grid=(N_V // _BM,),
        in_specs=[
            pl.BlockSpec((_BM, D), lambda i: (i, 0)),
            pl.BlockSpec((D, D), lambda i: (0, 0)),
            pl.BlockSpec((1, D), lambda i: (0, 0)),
        ],
        out_specs=[
            pl.BlockSpec((_BM, DH), lambda i: (i, 0)),
            pl.BlockSpec((_BM, DH), lambda i: (i, 0)),
        ],
        out_shape=[
            jax.ShapeDtypeStruct((N_V, DH), _f32),
            jax.ShapeDtypeStruct((N_V, DH), _f32),
        ],
    )(x, w1, b1)


def _mm2_body(m0_ref, m1_ref, rv_ref, w_ref, b_ref, o0_ref, o1_ref):
    x = jnp.concatenate([m0_ref[...], m1_ref[...]], axis=1)
    x = jnp.maximum(x, 0.0) * rv_ref[...]
    h = jnp.dot(x, w_ref[...], preferred_element_type=_f32)
    h = jnp.maximum(h + b_ref[...], 0.0)
    o0_ref[...] = h[:, :DH]
    o1_ref[...] = h[:, DH:]


@jax.jit
def _mm2(m0, m1, rv, w2, b2):
    return pl.pallas_call(
        _mm2_body,
        grid=(N_V // _BM,),
        in_specs=[
            pl.BlockSpec((_BM, DH), lambda i: (i, 0)),
            pl.BlockSpec((_BM, DH), lambda i: (i, 0)),
            pl.BlockSpec((_BM, 1), lambda i: (i, 0)),
            pl.BlockSpec((D, D), lambda i: (0, 0)),
            pl.BlockSpec((1, D), lambda i: (0, 0)),
        ],
        out_specs=[
            pl.BlockSpec((_BM, DH), lambda i: (i, 0)),
            pl.BlockSpec((_BM, DH), lambda i: (i, 0)),
        ],
        out_shape=[
            jax.ShapeDtypeStruct((N_V, DH), _f32),
            jax.ShapeDtypeStruct((N_V, DH), _f32),
        ],
    )(m0, m1, rv, w2, b2)


def _merge_body(m0_ref, m1_ref, rv_ref, o_ref):
    x = jnp.concatenate([m0_ref[...], m1_ref[...]], axis=1)
    o_ref[...] = x * rv_ref[...]


@jax.jit
def _merge(m0, m1, rv):
    return pl.pallas_call(
        _merge_body,
        grid=(N_V // _BM,),
        in_specs=[
            pl.BlockSpec((_BM, DH), lambda i: (i, 0)),
            pl.BlockSpec((_BM, DH), lambda i: (i, 0)),
            pl.BlockSpec((_BM, 1), lambda i: (i, 0)),
        ],
        out_specs=pl.BlockSpec((_BM, D), lambda i: (i, 0)),
        out_shape=jax.ShapeDtypeStruct((N_V, D), _f32),
    )(m0, m1, rv)


def kernel(X, v_idx, e_idx, W1, b1, W2, b2):
    vidx2 = v_idx.astype(_i32).reshape(NROW, IB)
    eidx2 = e_idx.astype(_i32).reshape(NROW, IB)
    b1r = b1.reshape(1, D)
    b2r = b2.reshape(1, D)

    rce, rcv = _counts(vidx2, eidx2)
    rv = rcv[:N_V, :1]

    h0, h1 = _mm1(X, W1, b1r)
    m0, m1, _, _ = _v2v(vidx2, eidx2, h0, h1, rce)
    g0, g1 = _mm2(m0, m1, rv, W2, b2r)
    n0, n1, _, _ = _v2v(vidx2, eidx2, g0, g1, rce)
    return _merge(n0, n1, rv)

# --- scband reference (transcript-rebuilt; emitter-appended) ---
"""Pipeline reference for scband-hgnnp-33629593927812 (READ-ONLY COPY).

The authoritative reference and input builder live on the scoring server;
editing this copy changes nothing except your own understanding.
"""

import jax, jax.numpy as jnp
import numpy as np

N_V = 10000
N_E = 20000
NNZ = 320000
D_IN = 128
D_HID = 128
D_OUT = 128


def _v2v_mean(X, v_idx, e_idx, n_v, n_e):
    # hypergraph vertex->hyperedge->vertex mean aggregation (HGNN+ v2v, aggr='mean')
    ones = jnp.ones((v_idx.shape[0],), dtype=X.dtype)
    # v2e: mean of incident vertex features per hyperedge
    e_sum = jax.ops.segment_sum(X[v_idx], e_idx, num_segments=n_e)
    e_cnt = jax.ops.segment_sum(ones, e_idx, num_segments=n_e)
    Xe = e_sum / jnp.clip(e_cnt, 1.0, None)[:, None]
    # e2v: mean of incident hyperedge features per vertex
    v_sum = jax.ops.segment_sum(Xe[e_idx], v_idx, num_segments=n_v)
    v_cnt = jax.ops.segment_sum(ones, v_idx, num_segments=n_v)
    Xv = v_sum / jnp.clip(v_cnt, 1.0, None)[:, None]
    return Xv


def setup_inputs(seed: int = 0) -> dict:
    key = jax.random.key(seed)
    ks = jax.random.split(key, 8)
    X = jax.random.normal(ks[0], (N_V, D_IN), dtype=jnp.float32)
    v_idx = jax.random.randint(ks[1], (NNZ,), 0, N_V, dtype=jnp.int64) if jax.config.jax_enable_x64 else jax.random.randint(ks[1], (NNZ,), 0, N_V)
    e_idx = jax.random.randint(ks[2], (NNZ,), 0, N_E)
    W1 = jax.random.normal(ks[3], (D_IN, D_HID), dtype=jnp.float32) * (1.0 / np.sqrt(D_IN))
    b1 = jnp.zeros((D_HID,), dtype=jnp.float32)
    W2 = jax.random.normal(ks[4], (D_HID, D_OUT), dtype=jnp.float32) * (1.0 / np.sqrt(D_HID))
    b2 = jnp.zeros((D_OUT,), dtype=jnp.float32)
    return {"X": X, "v_idx": v_idx, "e_idx": e_idx, "W1": W1, "b1": b1, "W2": W2, "b2": b2}


def reference(X, v_idx, e_idx, W1, b1, W2, b2):
    # Layer 1: HGNNPConv(in=128, hid=128), not last
    H = jnp.maximum(X @ W1 + b1, 0.0)          # theta(X).relu()
    H = _v2v_mean(H, v_idx, e_idx, N_V, N_E)    # hg.v2v(X, aggr='mean')
    H = jnp.maximum(H, 0.0)                     # self.drop(self.act(X)), drop_rate=0
    # Layer 2: HGNNPConv(hid=128, out=128), is_last=True
    H2 = jnp.maximum(H @ W2 + b2, 0.0)
    out = _v2v_mean(H2, v_idx, e_idx, N_V, N_E)
    return out

if __name__ == "__main__":
    import jax
    _d = setup_inputs()
    print(jax.jit(kernel)(*tuple(_d.values())))

</pallas_src>

<mosaic_0001>
#map = affine_map<(d0, d1) -> (0, 0)>
module attributes {stable_mosaic.version = 14 : i64} {
  func.func @_counts_body(%arg0: i32, %arg1: i32, %arg2: memref<2560x125xi32, #tpu.memory_space<hbm>>, %arg3: memref<2560x125xi32, #tpu.memory_space<hbm>>, %arg4: memref<20480x16xf32, #tpu.memory_space<hbm>>, %arg5: memref<10240x16xf32, #tpu.memory_space<hbm>>, %arg6: memref<160x125xi32, #tpu.memory_space<vmem>>, %arg7: memref<125x16xf32, #tpu.memory_space<vmem>>, %arg8: memref<1280x16xf32, #tpu.memory_space<vmem>>, %arg9: memref<20480x16xf32, #tpu.memory_space<vmem_shared>>) attributes {dimension_semantics = [#tpu.dimension_semantics<core_parallel>, #tpu.dimension_semantics<subcore_parallel>], iteration_bounds = array<i64: 2, 16>, scalar_prefetch = 0 : i64, scratch_operands = 4 : i64, tpu.core_type = #tpu.core_type<sc_vector_subcore>, window_params = [{transform_indices = #map}, {transform_indices = #map}, {transform_indices = #map}, {transform_indices = #map}]} {
    %scan3A = arith.constant 0 : i32
    %scan3A_0 = arith.constant 0 : i32
    %scan3A_1 = arith.constant 1280 : i32
    %scan3A_2 = arith.addi %scan3A_0, %scan3A_1 : i32
    %scan3A_3 = arith.constant 1 : i32
    scf.for %scan3A_36 = %scan3A_0 to %scan3A_2 step %scan3A_3  : i32 {
      %broadcast_in_dim3A = arith.constant 0.000000e+00 : f32
      %broadcast_in_dim3A_37 = vector.broadcast %broadcast_in_dim3A : f32 to vector<16xf32>
      %swap3A = arith.index_cast %scan3A_36 : i32 to index
      %swap3A_38 = arith.constant 0 : index
      %swap3A_39 = tpu.vector_load %arg8[%swap3A, %swap3A_38] {strides = array<i32>} : memref<1280x16xf32, #tpu.memory_space<vmem>>, vector<1x16xf32>,
      %swap3A_40 = vector.shape_cast %swap3A_39 : vector<1x16xf32> to vector<16xf32>
      %swap3A_41 = vector.shape_cast %broadcast_in_dim3A_37 : vector<16xf32> to vector<1x16xf32>
      tpu.vector_store %arg8[%swap3A, %swap3A_38], %swap3A_41 {strides = array<i32>} : memref<1280x16xf32, #tpu.memory_space<vmem>>, vector<1x16xf32>,
    }
    %scan3A_4 = arith.constant 1280 : i32
    %mul3A = arith.constant 1280 : i32
    %mul3A_5 = arith.muli %arg1, %mul3A : i32
    "tpu.region"() ({
      %run_scoped3A = tpu.sem_alloc : memref<!tpu.dma_semaphore, #tpu.memory_space<semaphore_mem>>
      %dma_start3A = arith.constant 0 : i32
      %dma_start3A_36 = tpu.memref_slice %arg9[%mul3A_5, %dma_start3A] : memref<20480x16xf32, #tpu.memory_space<vmem_shared>> -> memref<1280x16xf32, #tpu.memory_space<vmem_shared>>
      %dma_start3A_37 = arith.constant 0 : i32
      %dma_start3A_38 = tpu.memref_slice %arg9[%mul3A_5, %dma_start3A_37] : memref<20480x16xf32, #tpu.memory_space<vmem_shared>> -> memref<1280x16xf32, #tpu.memory_space<vmem_shared>>
      tpu.enqueue_dma source(%arg8 : memref<1280x16xf32, #tpu.memory_space<vmem>>) target(%dma_start3A_38 : memref<1280x16xf32, #tpu.memory_space<vmem_shared>>) target_semaphore(%run_scoped3A : memref<!tpu.dma_semaphore, #tpu.memory_space<semaphore_mem>>)
      %dma_wait3A = arith.constant 0 : i32
      %dma_wait3A_39 = tpu.memref_slice %arg9[%mul3A_5, %dma_wait3A] : memref<20480x16xf32, #tpu.memory_space<vmem_shared>> -> memref<1280x16xf32, #tpu.memory_space<vmem_shared>>
      %dma_wait3A_40 = arith.constant 0 : i32
      %dma_wait3A_41 = tpu.memref_slice %arg9[%mul3A_5, %dma_wait3A_40] : memref<20480x16xf32, #tpu.memory_space<vmem_shared>> -> memref<1280x16xf32, #tpu.memory_space<vmem_shared>>
      tpu.wait_dma2 semaphore(%run_scoped3A : memref<!tpu.dma_semaphore, #tpu.memory_space<semaphore_mem>>) src(%arg8 : memref<1280x16xf32, #tpu.memory_space<vmem>>) dst(%dma_wait3A_41 : memref<1280x16xf32, #tpu.memory_space<vmem_shared>>)
      tpu.yield
    }) : () -> ()
    %scan3A_6 = arith.constant 0 : i32
    %scan3A_7 = arith.constant 0 : i32
    %scan3A_8 = arith.constant 125 : i32
    %scan3A_9 = arith.addi %scan3A_7, %scan3A_8 : i32
    %scan3A_10 = arith.constant 1 : i32
    scf.for %scan3A_36 = %scan3A_7 to %scan3A_9 step %scan3A_10  : i32 {
      %broadcast_in_dim3A = arith.constant 1.000000e+00 : f32
      %broadcast_in_dim3A_37 = vector.broadcast %broadcast_in_dim3A : f32 to vector<16xf32>
      %swap3A = arith.index_cast %scan3A_36 : i32 to index
      %swap3A_38 = arith.constant 0 : index
      %swap3A_39 = tpu.vector_load %arg7[%swap3A, %swap3A_38] {strides = array<i32>} : memref<125x16xf32, #tpu.memory_space<vmem>>, vector<1x16xf32>,
      %swap3A_40 = vector.shape_cast %swap3A_39 : vector<1x16xf32> to vector<16xf32>
      %swap3A_41 = vector.shape_cast %broadcast_in_dim3A_37 : vector<16xf32> to vector<1x16xf32>
      tpu.vector_store %arg7[%swap3A, %swap3A_38], %swap3A_41 {strides = array<i32>} : memref<125x16xf32, #tpu.memory_space<vmem>>, vector<1x16xf32>,
    }
    %scan3A_11 = arith.constant 125 : i32
    %eq3A = arith.constant 0 : i32
    %eq3A_12 = arith.cmpi eq, %arg0, %eq3A : i32
    %convert_element_type3A = arith.extui %eq3A_12 : i1 to i32
    %cond3A = arith.constant 0 : i32
    %cond3A_13 = arith.cmpi ne, %convert_element_type3A, %cond3A : i32
    scf.if %cond3A_13 {
      %mul3A_36 = arith.constant 160 : i32
      %mul3A_37 = arith.muli %arg1, %mul3A_36 : i32
      "tpu.region"() ({
        %run_scoped3A = tpu.sem_alloc : memref<!tpu.dma_semaphore, #tpu.memory_space<semaphore_mem>>
        %dma_start3A = arith.constant 0 : i32
        %dma_start3A_38 = tpu.memref_slice %arg3[%mul3A_37, %dma_start3A] : memref<2560x125xi32, #tpu.memory_space<hbm>> -> memref<160x125xi32, #tpu.memory_space<hbm>>
        %dma_start3A_39 = arith.constant 0 : i32
        %dma_start3A_40 = tpu.memref_slice %arg3[%mul3A_37, %dma_start3A_39] : memref<2560x125xi32, #tpu.memory_space<hbm>> -> memref<160x125xi32, #tpu.memory_space<hbm>>
        tpu.enqueue_dma source(%dma_start3A_40 : memref<160x125xi32, #tpu.memory_space<hbm>>) target(%arg6 : memref<160x125xi32, #tpu.memory_space<vmem>>) target_semaphore(%run_scoped3A : memref<!tpu.dma_semaphore, #tpu.memory_space<semaphore_mem>>)
        %dma_wait3A = arith.constant 0 : i32
        %dma_wait3A_41 = tpu.memref_slice %arg3[%mul3A_37, %dma_wait3A] : memref<2560x125xi32, #tpu.memory_space<hbm>> -> memref<160x125xi32, #tpu.memory_space<hbm>>
        %dma_wait3A_42 = arith.constant 0 : i32
        %dma_wait3A_43 = tpu.memref_slice %arg3[%mul3A_37, %dma_wait3A_42] : memref<2560x125xi32, #tpu.memory_space<hbm>> -> memref<160x125xi32, #tpu.memory_space<hbm>>
        tpu.wait_dma2 semaphore(%run_scoped3A : memref<!tpu.dma_semaphore, #tpu.memory_space<semaphore_mem>>) src(%dma_wait3A_43 : memref<160x125xi32, #tpu.memory_space<hbm>>) dst(%arg6 : memref<160x125xi32, #tpu.memory_space<vmem>>)
        tpu.yield
      }) : () -> ()
    } else {
    }
    %eq3A_14 = arith.constant 1 : i32
    %eq3A_15 = arith.cmpi eq, %arg0, %eq3A_14 : i32
    %convert_element_type3A_16 = arith.extui %eq3A_15 : i1 to i32
    %cond3A_17 = arith.constant 0 : i32
    %cond3A_18 = arith.cmpi ne, %convert_element_type3A_16, %cond3A_17 : i32
    scf.if %cond3A_18 {
      %mul3A_36 = arith.constant 160 : i32
      %mul3A_37 = arith.muli %arg1, %mul3A_36 : i32
      "tpu.region"() ({
        %run_scoped3A = tpu.sem_alloc : memref<!tpu.dma_semaphore, #tpu.memory_space<semaphore_mem>>
        %dma_start3A = arith.constant 0 : i32
        %dma_start3A_38 = tpu.memref_slice %arg2[%mul3A_37, %dma_start3A] : memref<2560x125xi32, #tpu.memory_space<hbm>> -> memref<160x125xi32, #tpu.memory_space<hbm>>
        %dma_start3A_39 = arith.constant 0 : i32
        %dma_start3A_40 = tpu.memref_slice %arg2[%mul3A_37, %dma_start3A_39] : memref<2560x125xi32, #tpu.memory_space<hbm>> -> memref<160x125xi32, #tpu.memory_space<hbm>>
        tpu.enqueue_dma source(%dma_start3A_40 : memref<160x125xi32, #tpu.memory_space<hbm>>) target(%arg6 : memref<160x125xi32, #tpu.memory_space<vmem>>) target_semaphore(%run_scoped3A : memref<!tpu.dma_semaphore, #tpu.memory_space<semaphore_mem>>)
        %dma_wait3A = arith.constant 0 : i32
        %dma_wait3A_41 = tpu.memref_slice %arg2[%mul3A_37, %dma_wait3A] : memref<2560x125xi32, #tpu.memory_space<hbm>> -> memref<160x125xi32, #tpu.memory_space<hbm>>
        %dma_wait3A_42 = arith.constant 0 : i32
        %dma_wait3A_43 = tpu.memref_slice %arg2[%mul3A_37, %dma_wait3A_42] : memref<2560x125xi32, #tpu.memory_space<hbm>> -> memref<160x125xi32, #tpu.memory_space<hbm>>
        tpu.wait_dma2 semaphore(%run_scoped3A : memref<!tpu.dma_semaphore, #tpu.memory_space<semaphore_mem>>) src(%dma_wait3A_43 : memref<160x125xi32, #tpu.memory_space<hbm>>) dst(%arg6 : memref<160x125xi32, #tpu.memory_space<vmem>>)
        tpu.yield
      }) : () -> ()
    } else {
    }
    %barrier3A = arith.constant 0 : index
    tpu.barrier barrier_id(%barrier3A)
    %scan3A_19 = arith.constant 0 : i32
    %scan3A_20 = arith.constant 0 : i32
    %scan3A_21 = arith.constant 160 : i32
    %scan3A_22 = arith.addi %scan3A_20, %scan3A_21 : i32
    %scan3A_23 = arith.constant 1 : i32
    scf.for %scan3A_36 = %scan3A_20 to %scan3A_22 step %scan3A_23  : i32 {
      "tpu.region"() ({
        %run_scoped3A = tpu.sem_alloc : memref<!tpu.dma_semaphore, #tpu.memory_space<semaphore_mem>>
        %dma_start3A = arith.constant 0 : i32
        %dma_start3A_37 = tpu.memref_slice %arg6[%scan3A_36, %dma_start3A] : memref<160x125xi32, #tpu.memory_space<vmem>> -> memref<1x125xi32, #tpu.memory_space<vmem>>
        %dma_start3A_38 = tpu.memref_squeeze %dma_start3A_37 : memref<1x125xi32, #tpu.memory_space<vmem>> -> memref<125xi32, #tpu.memory_space<vmem>>
        %dma_start3A_39 = arith.constant 0 : i32
        %dma_start3A_40 = arith.constant 0 : i32
        %dma_start3A_41 = tpu.memref_slice %arg9[%dma_start3A_39, %dma_start3A_40] : memref<20480x16xf32, #tpu.memory_space<vmem_shared>> -> memref<20480x16xf32, #tpu.memory_space<vmem_shared>>
        tpu.enqueue_indirect_dma source(%arg7 : memref<125x16xf32, #tpu.memory_space<vmem>>) target(%dma_start3A_41 : memref<20480x16xf32, #tpu.memory_space<vmem_shared>>) offsets(%dma_start3A_38 : memref<125xi32, #tpu.memory_space<vmem>>) semaphore(%run_scoped3A : memref<!tpu.dma_semaphore, #tpu.memory_space<semaphore_mem>>) {add = true}
        %dma_wait3A = arith.constant 0 : i32
        %dma_wait3A_42 = tpu.memref_slice %arg6[%scan3A_36, %dma_wait3A] : memref<160x125xi32, #tpu.memory_space<vmem>> -> memref<1x125xi32, #tpu.memory_space<vmem>>
        %dma_wait3A_43 = tpu.memref_squeeze %dma_wait3A_42 : memref<1x125xi32, #tpu.memory_space<vmem>> -> memref<125xi32, #tpu.memory_space<vmem>>
        %dma_wait3A_44 = arith.constant 0 : i32
        %dma_wait3A_45 = arith.constant 0 : i32
        %dma_wait3A_46 = tpu.memref_slice %arg9[%dma_wait3A_44, %dma_wait3A_45] : memref<20480x16xf32, #tpu.memory_space<vmem_shared>> -> memref<20480x16xf32, #tpu.memory_space<vmem_shared>>
        tpu.wait_indirect_dma semaphore(%run_scoped3A : memref<!tpu.dma_semaphore, #tpu.memory_space<semaphore_mem>>) src(%arg7 : memref<125x16xf32, #tpu.memory_space<vmem>>) dst(%dma_wait3A_46 : memref<20480x16xf32, #tpu.memory_space<vmem_shared>>)
        tpu.yield
      }) : () -> ()
    }
    %scan3A_24 = arith.constant 160 : i32
    %barrier3A_25 = arith.constant 0 : index
    tpu.barrier barrier_id(%barrier3A_25)
    %eq3A_26 = arith.constant 0 : i32
    %eq3A_27 = arith.cmpi eq, %arg0, %eq3A_26 : i32
    %convert_element_type3A_28 = arith.extui %eq3A_27 : i1 to i32
    %cond3A_29 = arith.constant 0 : i32
    %cond3A_30 = arith.cmpi ne, %convert_element_type3A_28, %cond3A_29 : i32
    scf.if %cond3A_30 {
      %mul3A_36 = arith.constant 1280 : i32
      %mul3A_37 = arith.muli %arg1, %mul3A_36 : i32
      "tpu.region"() ({
        %run_scoped3A = tpu.sem_alloc : memref<!tpu.dma_semaphore, #tpu.memory_space<semaphore_mem>>
        %dma_start3A = arith.constant 0 : i32
        %dma_start3A_44 = arith.constant 0 : i32
        %dma_start3A_45 = tpu.memref_slice %arg8[%dma_start3A, %dma_start3A_44] : memref<1280x16xf32, #tpu.memory_space<vmem>> -> memref<1280x16xf32, #tpu.memory_space<vmem>>
        %dma_start3A_46 = arith.constant 0 : i32
        %dma_start3A_47 = tpu.memref_slice %arg9[%mul3A_37, %dma_start3A_46] : memref<20480x16xf32, #tpu.memory_space<vmem_shared>> -> memref<1280x16xf32, #tpu.memory_space<vmem_shared>>
        %dma_start3A_48 = arith.constant 0 : i32
        %dma_start3A_49 = arith.constant 0 : i32
        %dma_start3A_50 = tpu.memref_slice %arg8[%dma_start3A_48, %dma_start3A_49] : memref<1280x16xf32, #tpu.memory_space<vmem>> -> memref<1280x16xf32, #tpu.memory_space<vmem>>
        %dma_start3A_51 = arith.constant 0 : i32
        %dma_start3A_52 = tpu.memref_slice %arg9[%mul3A_37, %dma_start3A_51] : memref<20480x16xf32, #tpu.memory_space<vmem_shared>> -> memref<1280x16xf32, #tpu.memory_space<vmem_shared>>
        tpu.enqueue_dma source(%dma_start3A_52 : memref<1280x16xf32, #tpu.memory_space<vmem_shared>>) target(%dma_start3A_50 : memref<1280x16xf32, #tpu.memory_space<vmem>>) target_semaphore(%run_scoped3A : memref<!tpu.dma_semaphore, #tpu.memory_space<semaphore_mem>>)
        %dma_wait3A = arith.constant 0 : i32
        %dma_wait3A_53 = arith.constant 0 : i32
        %dma_wait3A_54 = tpu.memref_slice %arg8[%dma_wait3A, %dma_wait3A_53] : memref<1280x16xf32, #tpu.memory_space<vmem>> -> memref<1280x16xf32, #tpu.memory_space<vmem>>
        %dma_wait3A_55 = arith.constant 0 : i32
        %dma_wait3A_56 = tpu.memref_slice %arg9[%mul3A_37, %dma_wait3A_55] : memref<20480x16xf32, #tpu.memory_space<vmem_shared>> -> memref<1280x16xf32, #tpu.memory_space<vmem_shared>>
        %dma_wait3A_57 = arith.constant 0 : i32
        %dma_wait3A_58 = arith.constant 0 : i32
        %dma_wait3A_59 = tpu.memref_slice %arg8[%dma_wait3A_57, %dma_wait3A_58] : memref<1280x16xf32, #tpu.memory_space<vmem>> -> memref<1280x16xf32, #tpu.memory_space<vmem>>
        %dma_wait3A_60 = arith.constant 0 : i32
        %dma_wait3A_61 = tpu.memref_slice %arg9[%mul3A_37, %dma_wait3A_60] : memref<20480x16xf32, #tpu.memory_space<vmem_shared>> -> memref<1280x16xf32, #tpu.memory_space<vmem_shared>>
        tpu.wait_dma2 semaphore(%run_scoped3A : memref<!tpu.dma_semaphore, #tpu.memory_space<semaphore_mem>>) src(%dma_wait3A_61 : memref<1280x16xf32, #tpu.memory_space<vmem_shared>>) dst(%dma_wait3A_59 : memref<1280x16xf32, #tpu.memory_space<vmem>>)
        tpu.yield
      }) : () -> ()
      %scan3A_38 = arith.constant 0 : i32
      %scan3A_39 = arith.constant 0 : i32
      %scan3A_40 = arith.constant 1280 : i32
      %scan3A_41 = arith.addi %scan3A_39, %scan3A_40 : i32
      %scan3A_42 = arith.constant 1 : i32
      scf.for %scan3A_44 = %scan3A_39 to %scan3A_41 step %scan3A_42  : i32 {
        %get3A = arith.index_cast %scan3A_44 : i32 to index
        %get3A_45 = arith.constant 0 : index
        %get3A_46 = tpu.vector_load %arg8[%get3A, %get3A_45] {strides = array<i32>} : memref<1280x16xf32, #tpu.memory_space<vmem>>, vector<1x16xf32>,
        %get3A_47 = vector.shape_cast %get3A_46 : vector<1x16xf32> to vector<16xf32>
        %max3A = arith.constant 1.000000e+00 : f32
        %max3A_48 = vector.broadcast %max3A : f32 to vector<16xf32>
        %max3A_49 = arith.maximumf %get3A_47, %max3A_48 : vector<16xf32>
        %div3A = arith.constant 1.000000e+00 : f32
        %div3A_50 = vector.broadcast %div3A : f32 to vector<16xf32>
        %div3A_51 = arith.divf %div3A_50, %max3A_49 : vector<16xf32>
        %swap3A = arith.index_cast %scan3A_44 : i32 to index
        %swap3A_52 = arith.constant 0 : index
        %swap3A_53 = tpu.vector_load %arg8[%swap3A, %swap3A_52] {strides = array<i32>} : memref<1280x16xf32, #tpu.memory_space<vmem>>, vector<1x16xf32>,
        %swap3A_54 = vector.shape_cast %swap3A_53 : vector<1x16xf32> to vector<16xf32>
        %swap3A_55 = vector.shape_cast %div3A_51 : vector<16xf32> to vector<1x16xf32>
        tpu.vector_store %arg8[%swap3A, %swap3A_52], %swap3A_55 {strides = array<i32>} : memref<1280x16xf32, #tpu.memory_space<vmem>>, vector<1x16xf32>,
      }
      %scan3A_43 = arith.constant 1280 : i32
      "tpu.region"() ({
        %run_scoped3A = tpu.sem_alloc : memref<!tpu.dma_semaphore, #tpu.memory_space<semaphore_mem>>
        %dma_start3A = arith.constant 0 : i32
        %dma_start3A_44 = arith.constant 0 : i32
        %dma_start3A_45 = tpu.memref_slice %arg8[%dma_start3A, %dma_start3A_44] : memref<1280x16xf32, #tpu.memory_space<vmem>> -> memref<1280x16xf32, #tpu.memory_space<vmem>>
        %dma_start3A_46 = arith.constant 0 : i32
        %dma_start3A_47 = tpu.memref_slice %arg4[%mul3A_37, %dma_start3A_46] : memref<20480x16xf32, #tpu.memory_space<hbm>> -> memref<1280x16xf32, #tpu.memory_space<hbm>>
        %dma_start3A_48 = arith.constant 0 : i32
        %dma_start3A_49 = tpu.memref_slice %arg4[%mul3A_37, %dma_start3A_48] : memref<20480x16xf32, #tpu.memory_space<hbm>> -> memref<1280x16xf32, #tpu.memory_space<hbm>>
        %dma_start3A_50 = arith.constant 0 : i32
        %dma_start3A_51 = arith.constant 0 : i32
        %dma_start3A_52 = tpu.memref_slice %arg8[%dma_start3A_50, %dma_start3A_51] : memref<1280x16xf32, #tpu.memory_space<vmem>> -> memref<1280x16xf32, #tpu.memory_space<vmem>>
        tpu.enqueue_dma source(%dma_start3A_52 : memref<1280x16xf32, #tpu.memory_space<vmem>>) target(%dma_start3A_49 : memref<1280x16xf32, #tpu.memory_space<hbm>>) target_semaphore(%run_scoped3A : memref<!tpu.dma_semaphore, #tpu.memory_space<semaphore_mem>>)
        %dma_wait3A = arith.constant 0 : i32
        %dma_wait3A_53 = arith.constant 0 : i32
        %dma_wait3A_54 = tpu.memref_slice %arg8[%dma_wait3A, %dma_wait3A_53] : memref<1280x16xf32, #tpu.memory_space<vmem>> -> memref<1280x16xf32, #tpu.memory_space<vmem>>
        %dma_wait3A_55 = arith.constant 0 : i32
        %dma_wait3A_56 = tpu.memref_slice %arg4[%mul3A_37, %dma_wait3A_55] : memref<20480x16xf32, #tpu.memory_space<hbm>> -> memref<1280x16xf32, #tpu.memory_space<hbm>>
        %dma_wait3A_57 = arith.constant 0 : i32
        %dma_wait3A_58 = tpu.memref_slice %arg4[%mul3A_37, %dma_wait3A_57] : memref<20480x16xf32, #tpu.memory_space<hbm>> -> memref<1280x16xf32, #tpu.memory_space<hbm>>
        %dma_wait3A_59 = arith.constant 0 : i32
        %dma_wait3A_60 = arith.constant 0 : i32
        %dma_wait3A_61 = tpu.memref_slice %arg8[%dma_wait3A_59, %dma_wait3A_60] : memref<1280x16xf32, #tpu.memory_space<vmem>> -> memref<1280x16xf32, #tpu.memory_space<vmem>>
        tpu.wait_dma2 semaphore(%run_scoped3A : memref<!tpu.dma_semaphore, #tpu.memory_space<semaphore_mem>>) src(%dma_wait3A_61 : memref<1280x16xf32, #tpu.memory_space<vmem>>) dst(%dma_wait3A_58 : memref<1280x16xf32, #tpu.memory_space<hbm>>)
        tpu.yield
      }) : () -> ()
    } else {
    }
    %eq3A_31 = arith.constant 1 : i32
    %eq3A_32 = arith.cmpi eq, %arg0, %eq3A_31 : i32
    %convert_element_type3A_33 = arith.extui %eq3A_32 : i1 to i32
    %cond3A_34 = arith.constant 0 : i32
    %cond3A_35 = arith.cmpi ne, %convert_element_type3A_33, %cond3A_34 : i32
    scf.if %cond3A_35 {
      %mul3A_36 = arith.constant 640 : i32
      %mul3A_37 = arith.muli %arg1, %mul3A_36 : i32
      "tpu.region"() ({
        %run_scoped3A = tpu.sem_alloc : memref<!tpu.dma_semaphore, #tpu.memory_space<semaphore_mem>>
        %dma_start3A = arith.constant 0 : i32
        %dma_start3A_44 = arith.constant 0 : i32
        %dma_start3A_45 = tpu.memref_slice %arg8[%dma_start3A, %dma_start3A_44] : memref<1280x16xf32, #tpu.memory_space<vmem>> -> memref<640x16xf32, #tpu.memory_space<vmem>>
        %dma_start3A_46 = arith.constant 0 : i32
        %dma_start3A_47 = tpu.memref_slice %arg9[%mul3A_37, %dma_start3A_46] : memref<20480x16xf32, #tpu.memory_space<vmem_shared>> -> memref<640x16xf32, #tpu.memory_space<vmem_shared>>
        %dma_start3A_48 = arith.constant 0 : i32
        %dma_start3A_49 = arith.constant 0 : i32
        %dma_start3A_50 = tpu.memref_slice %arg8[%dma_start3A_48, %dma_start3A_49] : memref<1280x16xf32, #tpu.memory_space<vmem>> -> memref<640x16xf32, #tpu.memory_space<vmem>>
        %dma_start3A_51 = arith.constant 0 : i32
        %dma_start3A_52 = tpu.memref_slice %arg9[%mul3A_37, %dma_start3A_51] : memref<20480x16xf32, #tpu.memory_space<vmem_shared>> -> memref<640x16xf32, #tpu.memory_space<vmem_shared>>
        tpu.enqueue_dma source(%dma_start3A_52 : memref<640x16xf32, #tpu.memory_space<vmem_shared>>) target(%dma_start3A_50 : memref<640x16xf32, #tpu.memory_space<vmem>>) target_semaphore(%run_scoped3A : memref<!tpu.dma_semaphore, #tpu.memory_space<semaphore_mem>>)
        %dma_wait3A = arith.constant 0 : i32
        %dma_wait3A_53 = arith.constant 0 : i32
        %dma_wait3A_54 = tpu.memref_slice %arg8[%dma_wait3A, %dma_wait3A_53] : memref<1280x16xf32, #tpu.memory_space<vmem>> -> memref<640x16xf32, #tpu.memory_space<vmem>>
        %dma_wait3A_55 = arith.constant 0 : i32
        %dma_wait3A_56 = tpu.memref_slice %arg9[%mul3A_37, %dma_wait3A_55] : memref<20480x16xf32, #tpu.memory_space<vmem_shared>> -> memref<640x16xf32, #tpu.memory_space<vmem_shared>>
        %dma_wait3A_57 = arith.constant 0 : i32
        %dma_wait3A_58 = arith.constant 0 : i32
        %dma_wait3A_59 = tpu.memref_slice %arg8[%dma_wait3A_57, %dma_wait3A_58] : memref<1280x16xf32, #tpu.memory_space<vmem>> -> memref<640x16xf32, #tpu.memory_space<vmem>>
        %dma_wait3A_60 = arith.constant 0 : i32
        %dma_wait3A_61 = tpu.memref_slice %arg9[%mul3A_37, %dma_wait3A_60] : memref<20480x16xf32, #tpu.memory_space<vmem_shared>> -> memref<640x16xf32, #tpu.memory_space<vmem_shared>>
        tpu.wait_dma2 semaphore(%run_scoped3A : memref<!tpu.dma_semaphore, #tpu.memory_space<semaphore_mem>>) src(%dma_wait3A_61 : memref<640x16xf32, #tpu.memory_space<vmem_shared>>) dst(%dma_wait3A_59 : memref<640x16xf32, #tpu.memory_space<vmem>>)
        tpu.yield
      }) : () -> ()
      %scan3A_38 = arith.constant 0 : i32
      %scan3A_39 = arith.constant 0 : i32
      %scan3A_40 = arith.constant 640 : i32
      %scan3A_41 = arith.addi %scan3A_39, %scan3A_40 : i32
      %scan3A_42 = arith.constant 1 : i32
      scf.for %scan3A_44 = %scan3A_39 to %scan3A_41 step %scan3A_42  : i32 {
        %get3A = arith.index_cast %scan3A_44 : i32 to index
        %get3A_45 = arith.constant 0 : index
        %get3A_46 = tpu.vector_load %arg8[%get3A, %get3A_45] {strides = array<i32>} : memref<1280x16xf32, #tpu.memory_space<vmem>>, vector<1x16xf32>,
        %get3A_47 = vector.shape_cast %get3A_46 : vector<1x16xf32> to vector<16xf32>
        %max3A = arith.constant 1.000000e+00 : f32
        %max3A_48 = vector.broadcast %max3A : f32 to vector<16xf32>
        %max3A_49 = arith.maximumf %get3A_47, %max3A_48 : vector<16xf32>
        %div3A = arith.constant 1.000000e+00 : f32
        %div3A_50 = vector.broadcast %div3A : f32 to vector<16xf32>
        %div3A_51 = arith.divf %div3A_50, %max3A_49 : vector<16xf32>
        %swap3A = arith.index_cast %scan3A_44 : i32 to index
        %swap3A_52 = arith.constant 0 : index
        %swap3A_53 = tpu.vector_load %arg8[%swap3A, %swap3A_52] {strides = array<i32>} : memref<1280x16xf32, #tpu.memory_space<vmem>>, vector<1x16xf32>,
        %swap3A_54 = vector.shape_cast %swap3A_53 : vector<1x16xf32> to vector<16xf32>
        %swap3A_55 = vector.shape_cast %div3A_51 : vector<16xf32> to vector<1x16xf32>
        tpu.vector_store %arg8[%swap3A, %swap3A_52], %swap3A_55 {strides = array<i32>} : memref<1280x16xf32, #tpu.memory_space<vmem>>, vector<1x16xf32>,
      }
      %scan3A_43 = arith.constant 640 : i32
      "tpu.region"() ({
        %run_scoped3A = tpu.sem_alloc : memref<!tpu.dma_semaphore, #tpu.memory_space<semaphore_mem>>
        %dma_start3A = arith.constant 0 : i32
        %dma_start3A_44 = arith.constant 0 : i32
        %dma_start3A_45 = tpu.memref_slice %arg8[%dma_start3A, %dma_start3A_44] : memref<1280x16xf32, #tpu.memory_space<vmem>> -> memref<640x16xf32, #tpu.memory_space<vmem>>
        %dma_start3A_46 = arith.constant 0 : i32
        %dma_start3A_47 = tpu.memref_slice %arg5[%mul3A_37, %dma_start3A_46] : memref<10240x16xf32, #tpu.memory_space<hbm>> -> memref<640x16xf32, #tpu.memory_space<hbm>>
        %dma_start3A_48 = arith.constant 0 : i32
        %dma_start3A_49 = tpu.memref_slice %arg5[%mul3A_37, %dma_start3A_48] : memref<10240x16xf32, #tpu.memory_space<hbm>> -> memref<640x16xf32, #tpu.memory_space<hbm>>
        %dma_start3A_50 = arith.constant 0 : i32
        %dma_start3A_51 = arith.constant 0 : i32
        %dma_start3A_52 = tpu.memref_slice %arg8[%dma_start3A_50, %dma_start3A_51] : memref<1280x16xf32, #tpu.memory_space<vmem>> -> memref<640x16xf32, #tpu.memory_space<vmem>>
        tpu.enqueue_dma source(%dma_start3A_52 : memref<640x16xf32, #tpu.memory_space<vmem>>) target(%dma_start3A_49 : memref<640x16xf32, #tpu.memory_space<hbm>>) target_semaphore(%run_scoped3A : memref<!tpu.dma_semaphore, #tpu.memory_space<semaphore_mem>>)
        %dma_wait3A = arith.constant 0 : i32
        %dma_wait3A_53 = arith.constant 0 : i32
        %dma_wait3A_54 = tpu.memref_slice %arg8[%dma_wait3A, %dma_wait3A_53] : memref<1280x16xf32, #tpu.memory_space<vmem>> -> memref<640x16xf32, #tpu.memory_space<vmem>>
        %dma_wait3A_55 = arith.constant 0 : i32
        %dma_wait3A_56 = tpu.memref_slice %arg5[%mul3A_37, %dma_wait3A_55] : memref<10240x16xf32, #tpu.memory_space<hbm>> -> memref<640x16xf32, #tpu.memory_space<hbm>>
        %dma_wait3A_57 = arith.constant 0 : i32
        %dma_wait3A_58 = tpu.memref_slice %arg5[%mul3A_37, %dma_wait3A_57] : memref<10240x16xf32, #tpu.memory_space<hbm>> -> memref<640x16xf32, #tpu.memory_space<hbm>>
        %dma_wait3A_59 = arith.constant 0 : i32
        %dma_wait3A_60 = arith.constant 0 : i32
        %dma_wait3A_61 = tpu.memref_slice %arg8[%dma_wait3A_59, %dma_wait3A_60] : memref<1280x16xf32, #tpu.memory_space<vmem>> -> memref<640x16xf32, #tpu.memory_space<vmem>>
        tpu.wait_dma2 semaphore(%run_scoped3A : memref<!tpu.dma_semaphore, #tpu.memory_space<semaphore_mem>>) src(%dma_wait3A_61 : memref<640x16xf32, #tpu.memory_space<vmem>>) dst(%dma_wait3A_58 : memref<640x16xf32, #tpu.memory_space<hbm>>)
        tpu.yield
      }) : () -> ()
    } else {
    }
    return
  }
}

</mosaic_0001>

<sc_bundles>
// kernel: _counts.3.cloned.1.call-start
scs
__scs_entry_jumppad:
0x0: {  	(pc) =	sbr.rel $0x88, $3  }
0x1: {  	(tag) =	ssettag $0x0;
	lr =	simm.s32 $0x1  }
0x2: {  	[smem:$0x3F9F] =	sst lr;
	_ =	strace $0xD0000000  }
0x3: {  	_ = 	snop  }
0x4: {  	_ = 	snop  }
0x5: {  	_ = 	snop  }
0x6: {  	_ = 	snop  }
0x7: {  	_ = 	snop  }
__scs_overlays_trampoline_lowered:
0x8: {  	[smem:$0x3FAE] =	sst s0  }
0x9: {  	[smem:$0x3FAF] =	sst s1  }
0xa: {  	[smem:$0x3FB0] =	sst s2  }
0xb: {  	[smem:$0x3FB1] =	sst s3  }
0xc: {  	[smem:$0x3FB2] =	sst s4  }
0xd: {  	[smem:$0x3FB3] =	sst s5  }
0xe: {  	[smem:$0x3FB4] =	sst s6  }
0xf: {  	[smem:$0x3FB5] =	sst s7  }
0x10: {  	[smem:$0x3FB6] =	sst s8  }
0x11: {  	[smem:$0x3FB7] =	sst s9;
	s0 =	simm.s32 @!p0 $0x0  }
0x12: {  	s1 =	sld [smem:$0x3F9D];
	s0 =	simm.s32 @p0 $0x1  }
0x13: {  	[smem:$0x3FB8] =	sst s0;
	s0 =	simm.s32 @!p1 $0x0  }
0x14: {  	s2 =	sld [smem:$0x3F9C];
	s0 =	simm.s32 @p1 $0x1  }
0x15: {  	[smem:$0x3FB9] =	sst s0;
	s0 =	simm.s32 @!p2 $0x0  }
0x16: {  	s3 =	sld [smem:$0x3FDB];
	s0 =	simm.s32 @p2 $0x1  }
0x17: {  	s4 =	simm.s32 $0x1BF5;
	[smem:$0x3FBB] =	sst s0  }
0x18: {  	s0 =	sld [smem:$0x3F9E];
	_ =	swait.ge [sflag:s4], $0x0  }
0x19: {  	s7 =	sld [smem:$0x3F9F]  }
0x1a: {  	s8 =	sadd.s32 $0xFFFFE003, lr  }
0x1b: {  	s9 =	sadd.s32 $0xFFFFFEF7, lr;
	s5 =	simm.s32 $0xFFFFFFFF;
	p2 =	slt.u32 s8, $0xFFFFF086  }
0x1c: {  	p1 =	slt.u32 s9, $0xF7A;
	s5 =	simm.s32 @!p2 $0x0  }
0x1d: {  	s5 =	simm.s32 @p1 $0x1;
	p0 =	seq.s32 s7, s2  }
0x1e: {  	s7 =	smul.u32 @!p0 $0xF7A, s2;
	p2 =	seq.s32 @!p0 s5, $0x0  }
0x1f: {  	s9 =	smul.u32 $0xF7A, s1;
	s8 =	simm.s32 @!p0 $0x1BF5;
	p2 =	por !p2, p0  }
0x20: {  	[sflag:s8] =	ssyncset.s32 @!p0 $0xFFFFF086;
	s6 =	sadd.s32 @!p0 s3, s7;
	s7 =	simm.s32 @!p0 $0x108  }
0x21: {  	s3 =	sadd.s32 s3, s9;
	s6 =	sadd.s32 @!p0 $0x88, s6;
	s7 =	simm.s32 @p2 $0x1082  }
0x22: {  	[simem:s7], [sflag:s8] =	dma.local @!p0 [hbm:s6], $0xF7A  }
0x23: {  	s9 =	sor.u32 $0xD0000000, s2;
	s6 =	simm.s32 $0x108;
	_ =	swait.ge @!p0 [sflag:s8], $0x0  }
0x24: {  	s3 =	sadd.s32 $0x88, s3;
	s6 =	simm.s32 @!p1 $0x1082;
	[sflag:s4] =	ssyncset.s32 $0xFFFFF086  }
0x25: {  	[simem:s6], [sflag:s4] =	dma.local [hbm:s3], $0xF7A  }
0x26: {  	[smem:$0x3F9F] =	sst s1;
	(tag) =	ssettag s2;
	_ =	strace s9  }
0x27: {  	s1 =	sld [smem:$0x3FAF]  }
0x28: {  	s2 =	sld [smem:$0x3FB0]  }
0x29: {  	s4 =	sld [smem:$0x3FB2]  }
0x2a: {  	p0 =	seq.s32 s5, $0x0;
	s5 =	sld [smem:$0x3FB3]  }
0x2b: {  	s6 =	sld [smem:$0x3FB4]  }
0x2c: {  	s7 =	sld [smem:$0x3FB5]  }
0x2d: {  	s3 =	simm.s32 $0x108;
	s8 =	sld [smem:$0x3FB6]  }
0x2e: {  	s3 =	simm.s32 @!p0 $0x1082;
	s9 =	sld [smem:$0x3FB7]  }
0x2f: {  	lr =	sadd.s32 s0, s3;
	s0 =	sld [smem:$0x3FAE]  }
0x30: {  	s3 =	sld [smem:$0x3FB1]  }
0x31: {  	[smem:$0x3FBA] =	sst s10  }
0x32: {  	s10 =	sld [smem:$0x3FB8];
	_ =	sdelay $0x3  }
0x33: {  	p0 =	seq.s32 s10, $0x1;
	s10 =	sld [smem:$0x3FBA];
	_ =	sdelay $0x3  }
0x34: {  	[smem:$0x3FBA] =	sst s10  }
0x35: {  	s10 =	sld [smem:$0x3FB9];
	_ =	sdelay $0x3  }
0x36: {  	p1 =	seq.s32 s10, $0x1;
	s10 =	sld [smem:$0x3FBA];
	_ =	sdelay $0x3  }
0x37: {  	[smem:$0x3FBA] =	sst s10  }
0x38: {  	s10 =	sld [smem:$0x3FBB]  }
0x39: {  	_ = 	snop;
	(pc) =	sbr.ind lr, $3  }
0x3a: {  	_ = 	snop  }
0x3b: {  	_ = 	snop  }
0x3c: {  	p2 =	seq.s32 s10, $0x1;
	s10 =	sld [smem:$0x3FBA]  }
0x3d: {  	_ =	shalt  }
0x3e: {  	_ =	shalt  }
0x3f: {  	_ =	shalt  }
0x40: {  	_ =	shalt  }
0x41: {  	_ =	shalt  }
0x42: {  	_ =	shalt  }
0x43: {  	_ =	shalt  }
0x44: {  	_ =	shalt  }
0x45: {  	_ =	shalt  }
0x46: {  	_ =	shalt  }
0x47: {  	_ =	shalt  }
0x48: {  	_ =	shalt  }
0x49: {  	_ =	shalt  }
0x4a: {  	_ =	shalt  }
0x4b: {  	_ =	shalt  }
0x4c: {  	_ =	shalt  }
0x4d: {  	_ =	shalt  }
0x4e: {  	_ =	shalt  }
0x4f: {  	_ =	shalt  }
0x50: {  	_ =	shalt  }
0x51: {  	_ =	shalt  }
0x52: {  	_ =	shalt  }
0x53: {  	_ =	shalt  }
0x54: {  	_ =	shalt  }
0x55: {  	_ =	shalt  }
0x56: {  	_ =	shalt  }
0x57: {  	_ =	shalt  }
0x58: {  	_ =	shalt  }
0x59: {  	_ =	shalt  }
0x5a: {  	_ =	shalt  }
0x5b: {  	_ =	shalt  }
0x5c: {  	_ =	shalt  }
0x5d: {  	_ =	shalt  }
0x5e: {  	_ =	shalt  }
0x5f: {  	_ =	shalt  }
0x60: {  	_ =	shalt  }
0x61: {  	_ =	shalt  }
0x62: {  	_ =	shalt  }
0x63: {  	_ =	shalt  }
0x64: {  	_ =	shalt  }
0x65: {  	_ =	shalt  }
0x66: {  	_ =	shalt  }
0x67: {  	_ =	shalt  }
0x68: {  	_ =	shalt  }
0x69: {  	_ =	shalt  }
0x6a: {  	_ =	shalt  }
0x6b: {  	_ =	shalt  }
0x6c: {  	_ =	shalt  }
0x6d: {  	_ =	shalt  }
0x6e: {  	_ =	shalt  }
0x6f: {  	_ =	shalt  }
0x70: {  	_ =	shalt  }
0x71: {  	_ =	shalt  }
0x72: {  	_ =	shalt  }
0x73: {  	_ =	shalt  }
0x74: {  	_ =	shalt  }
0x75: {  	_ =	shalt  }
0x76: {  	_ =	shalt  }
0x77: {  	_ =	shalt  }
0x78: {  	_ =	shalt  }
0x79: {  	_ =	shalt  }
0x7a: {  	_ =	shalt  }
0x7b: {  	_ =	shalt  }
0x7c: {  	_ =	shalt  }
0x7d: {  	_ =	shalt  }
0x7e: {  	_ =	shalt  }
0x7f: {  	_ =	shalt  }
0x80: {  	_ =	shalt  }
0x81: {  	_ =	shalt  }
0x82: {  	_ =	shalt  }
0x83: {  	_ =	shalt  }
0x84: {  	_ =	shalt  }
0x85: {  	_ =	shalt  }
0x86: {  	_ =	shalt  }
0x87: {  	_ =	shalt  }
.Lfunc_end0:
.L_simem_size_0:
called_computation_lowered:
.L_overlay_start_0:
0x88: {  	s2 =	sld [smem:$0x3FD9]  }
0x89: {  	s3 =	sld [smem:$0x3FFE];
	_ =	sdelay $0x1  }
0x8a: {  	s1 =	srdreg.scid  }
0x8b: {  	s0 =	sand.u32 $0x1, s1  }
0x8c: {  	s14 =	sshll.u32 s0, $0xA;
	s2 =	sadd.s32 s3, s2  }
0x8d: {  	s2 =	sadd.s32 s2, s14  }
0x8e: {  	[smem:$0x3FC6] =	sst s2  }
0x8f: {  	_ = 	snop  }
0x90: {  	s2 =	sld [smem:$0x3FD0];
	_ =	sdelay $0x2  }
0x91: {  	s15 =	simm.s32 $0xA;
	s4 =	simm.s32 $0x10  }
0x92: {  	[smem:s4], [sflag:s15] =	dma.local [hbm:s2], $0x1  }
0x93: {  	_ =	swait.eq [sflag:s15], $0x1  }
0x94: {  	[sflag:s15] =	ssyncset.done $0x0  }
0x95: {  	s16 =	sld [smem:$0x10];
	[sflag:s15] =	ssyncadd.s32 $0xFFFFFFFF  }
0x96: {  	s17 =	sld [smem:$0x11];
	(tm) =	ssettm $0x1  }
0x97: {  	s18 =	sld [smem:$0x3FFB];
	_ =	sdelay $0x3  }
0x98: {  	_ =	strace s18  }
0x99: {  	s4 =	sld [smem:$0x3FFC];
	_ =	sdelay $0x3  }
0x9a: {  	_ =	strace s4  }
0x9b: {  	s4 =	sld [smem:$0x3FFD];
	_ =	sdelay $0x3  }
0x9c: {  	_ =	strace s4  }
0x9d: {  	_ =	strace $0x8FFFFFFF  }
0x9e: {  	s19 =	sld [smem:$0x3FDB];
	_ =	sdelay $0x1  }
0x9f: {  	s5 =	simm.s32 $_scs_section_size  }
0xa0: {  	s6 =	simm.s32 $_size__tile_overlayer_lowered;
	s7 =	simm.s32 $_tile_overlayer_lowered  }
0xa1: {  	s22 =	simm.s32 $0x1BFF;
	s21 =	sshll.u32 s7, $0x1;
	s4 =	sadd.s32 s5, s19  }
0xa2: {  	s8 =	simm.s32 $0x0;
	s20 =	sshll.u32 s6, $0x1;
	s6 =	sadd.s32 s21, s4  }
0xa3: {  	[timem:s8], [sflag:s22] =	dma.local [hbm:s6], s20  }
0xa4: {  	_ =	swait.ge [sflag:s22], s20  }
0xa5: {  	s5 =	ssub.s32 $0x0, s20;
	[sflag:s22] =	ssyncset.done $0x0  }
0xa6: {  	[sflag:s22] =	ssyncadd.s32 s5;
	_ =	sdelay $0x1  }
0xa7: {  	s23 =	simm.s32 $0x1B8B  }
0xa8: {  	_ =	swait.ge [sflag:s23], $0x1  }
0xa9: {  	[sflag:s23] =	ssyncset.done $0x0  }
0xaa: {  	s25 =	simm.s32 $0x1B8E;
	s24 =	sld [smem:$0x3FFE];
	[sflag:s23] =	ssyncadd.s32 $0xFFFFFFFF  }
0xab: {  	s26 =	simm.s32 $execute0_lowered;
	[smem:$0x3FD2] =	sst s25  }
0xac: {  	s6 =	sshll.u32 s26, $0x1;
	_ =	strace $0x80000046;
	[dreg:$0x1] =	wrdreg $0xFFFFFFFF  }
0xad: {  	s28 =	simm.s32 $_size_execute0_lowered;
	s4 =	sadd.s32 s4, s6;
	[dreg:$0x0] =	wrdreg $0x0  }
0xae: {  	s6 =	sshll.u32 s28, $0x1;
	[dreg:$0x2] =	wrdreg s4  }
0xaf: {  	[dreg:$0x3] =	wrdreg s6  }
0xb0: {  	[dreg:$0x4] =	wrdreg $0xC0  }
0xb1: {  	_ =	task [dreg:s8], $0x5FFFF  }
0xb2: {  	[dreg:$0x1] =	wrdreg $0xFFFFFFFF  }
0xb3: {  	[dreg:$0x0] =	wrdreg $0x60  }
0xb4: {  	[dreg:$0x2] =	wrdreg s16  }
0xb5: {  	[dreg:$0x3] =	wrdreg s24  }
0xb6: {  	[dreg:$0x4] =	wrdreg s17  }
0xb7: {  	[dreg:$0x5] =	wrdreg $0xA7D00  }
0xb8: {  	[dreg:$0x6] =	wrdreg $0x9  }
0xb9: {  	_ =	task.clear_ibuf [dreg:s8], $0x7FFFF;
	_ =	strace $0x90000046  }
0xba: {  	s29 =	simm.s32 $0x9;
	_ =	strace $0x80000048  }
0xbb: {  	_ =	swait.ge [sflag:s29], $0x1  }
0xbc: {  	[sflag:s29] =	ssyncadd.s32 $0xFFFFFFFF  }
0xbd: {  	_ =	strace $0x90000048  }
0xbe: {  	_ =	sfence  }
0xbf: {  	s30 =	sld [smem:$0x0];
	_ =	sdelay $0x2  }
0xc0: {  	s31 =	sshll.u32 s1, $0xD;
	s1 =	sshrl.u32 s1, $0x2  }
0xc1: {  	s3 =	sand.u32 $0x4000, s31;
	s1 =	sadd.s32 s1, s30  }
0xc2: {  	s0 =	sor.u32 s3, s0;
	s1 =	sshll.u32 s1, $0x11  }
0xc3: {  	s0 =	sor.u32 s1, s0  }
0xc4: {  	s0 =	sadd.s32 $0x8F2B, s0  }
0xc5: {  	[sflag:s0] =	ssyncadd.remote.s32 $0x1  }
0xc6: {  	_ =	sfence.sel $0xFFFF  }
0xc7: {  	[dreg:$0x0] =	wrdreg $0xFFFFFFFF;
	(pc) =	sbr.abs _section_cstart, $3  }
0xc8: {  	[dreg:$0x1] =	wrdreg $0xFFFFFFFF  }
0xc9: {  	_ =	task.clear_ibuf [dreg:s8], $0x2FFFF;
	_ =	strace $0x9FFFFFFF  }
0xca: {  	(tm) =	ssettm $0x7FFFFFFF  }
0xcb: {  	_ =	shalt  }
tec
execute0_lowered:
.L_overlay_start_1:
0x0: {  	(tag) =	ssettag $0x1  }
0x1: {  	s9 =	rddreg [dreg:$0x0]  }
0x2: {  	s4 =	rddreg [dreg:$0x1]  }
0x3: {  	s6 =	rddreg [dreg:$0x2]  }
0x4: {  	s2 =	rddreg [dreg:$0x3]  }
0x5: {  	s0 =	rddreg [dreg:$0x4];
	s1 =	stileid.u32  }
0x6: {  	s3 =	simm.s32 $0x0;
	s5 =	srdreg.scid;
	s7 =	smul.u32 $0x5000, s1  }
0x7: {  	[smem:$0x7FF] =	sst s3;
	s14 =	sand.u32 $0x1, s5;
	s12 =	smul.u32 $0x2800, s1  }
0x8: {  	s8 =	sadd.s32 $0xC00, s4;
	s13 =	smul.u32 $0xA00, s1;
	_ =	strace $0x80000047  }
0x9: {  	s5 =	ssub.s32 $0x2, s14;
	p0 =	seq.s32 s14, $0x0;
	s10 =	sshrl.u32 s7, $0x3  }
0xa: {  	s11 =	sshrl.u32 s5, $0x1;
	s31 =	sshrl.u32 s12, $0x3;
	s9 =	smov.u32 @p0 s8  }
.Ltmp0:
0xb: {  	p0 =	sne.s32 s14, $0x0;
	s14 =	simm.s32 $0x0;
	(pc) =	sbr.rel .LBB2_1-.Ltmp0, $4  }
0xc: {  	s10 =	sadd.s32 s10, s4;
	s11 =	ssub.s32 s5, s11;
	s4 =	sadd.s32 s7, s2  }
0xd: {  	s5 =	sadd.s32 s12, s2;
	s6 =	sadd.s32 s6, s31;
	s9 =	sadd.s32 s9, s13  }
0xe: {  	s12 =	simm.s32 $0x7D;
	s13 =	simm.s32 $0x5000;
	s7 =	sadd.s32 $0xAC00, s10  }
0xf: {  	v0 =	vimm.f32 $0.0e+00;
	v1 =	vimm.f32 $1.000000000e+00;
	s8 =	smax.u32 s11, $0x1;
	s10 =	simm.s32 $0x57D0;
	s11 =	simm.s32 $0x1  }
.LBB2_13:
0x10: {  	v2 =	vld [tilespmem:s15+$0x57D0];
	_ =	sdelay $0x4  }
0x11: {  	v2 =	vmax.f32 v2, $1.000000000e+00  }
0x12: {  	(erf) = vrcp.f32 v2;
	_ =	sdelay $0x8  }
0x13: {  	v2 =	vpop (erf)  }
0x14: {  	[tilespmem:s15+$0x57D0] =	vst v2  }
0x15: {  	[hbm4b:s6+s3] =	stream.linear.scatter [tilespmem:s10], [sflag:$0x1], $0x2800, $0x38;
	[tilespmem:$0xF7D0] =	vst v63  }
0x16: {  	_ =	swait.ge [sflag:s11], $0x2800  }
0x17: {  	[sflag:s11] =	ssyncset.done $0x0  }
0x18: {  	[sflag:s11] =	ssyncadd.s32 $0xFFFFD800  }
.LBB2_14:
0x19: {  	s14 =	sadd.s32 $0x1, s14  }
0x1a: {  	p1 =	sne.s32 s14, s8  }
.Ltmp1:
0x1b: {  	_ = 	snop;
	(pc) =	sbr.rel @!p1 .LBB2_15-.Ltmp1, $1  }
0x1c: {  	_ =	sdelay $0x3  }
.LBB2_1:
0x1d: {  	s15 =	simm.s32 $0x40;
	s16 =	simm.s32 $0x0  }
.LBB2_2:
0x1e: {  	p1 =	sne.s32 s15, $0x13FC0;
	[tilespmem:s16+$0x57D0] =	vst v0;
	s16 =	smov.u32 s15;
	s15 =	sadd.s32 $0x40, s15  }
.Ltmp2:
0x1f: {  	(pc) =	sbr.rel @p1 .LBB2_2-.Ltmp2, $2  }
0x20: {  	_ =	sdelay $0x2  }
0x21: {  	s16 =	sshra.s32 s16, $0x2  }
0x22: {  	[tilespmem:s16+$0x57D0] =	vst v0  }
0x23: {  	[spmem:s4] =	stream.linear.scatter [tilespmem:s10], [sflag:$0x1], $0x5000, $0x38;
	[tilespmem:$0xF7D0] =	vst v63  }
0x24: {  	_ =	swait.ge [sflag:s11], $0x5000  }
0x25: {  	[sflag:s11] =	ssyncset.done $0x0  }
0x26: {  	s15 =	simm.s32 $0x40;
	s16 =	simm.s32 $0x0;
	[sflag:s11] =	ssyncadd.s32 $0xFFFFB000  }
.LBB2_4:
0x27: {  	p1 =	sne.s32 s15, $0x1F00;
	[tilespmem:s16+$0x5000] =	vst v1;
	s16 =	smov.u32 s15;
	s15 =	sadd.s32 $0x40, s15  }
.Ltmp3:
0x28: {  	(pc) =	sbr.rel @p1 .LBB2_4-.Ltmp3, $2  }
0x29: {  	_ =	sdelay $0x2  }
0x2a: {  	s16 =	sshra.s32 s16, $0x2  }
0x2b: {  	[tilespmem:s16+$0x5000] =	vst v1;
	s15 =	simm.s32 $0x0  }
0x2c: {  	[tilespmem:s15], [sflag:$0x1] =	stream.linear.gather [hbm4b:s9+s15], $0x5000, $0x38;
	[tilespmem:$0xF7D0] =	vst v63  }
0x2d: {  	_ =	swait.ge [sflag:s11], $0x5000  }
0x2e: {  	[sflag:s11] =	ssyncset.done $0x0  }
0x2f: {  	[sflag:s11] =	ssyncadd.s32 $0xFFFFB000  }
0x30: {  	s31 =	simm.s32 $0x0;
	[bflag:$0x0] =	sbarrier.arrive $0xFFFF  }
0x31: {  	[spmem:s2] =	stream.indirect.scatter.add.f32 [tilespmem:s13], [sflag:$0x1], $0x10, s31, s12, $0xb8;
	[tilespmem:$0xF7D0] =	vst v63  }
0x32: {  	_ =	swait.ge [sflag:s11], $0x7D0  }
0x33: {  	s15 =	simm.s32 $0x200;
	[sflag:s11] =	ssyncset.done $0x0  }
.LBB2_6:
0x34: {  	s16 =	sshra.s32 s15, $0x2;
	[sflag:s11] =	ssyncadd.s32 $0xFFFFF830;
	p1 =	sne.s32 s15, $0x13E00  }
0x35: {  	[spmem:s2] =	stream.indirect.scatter.add.f32 [tilespmem:s13], [sflag:$0x1], $0x10, s16, s12, $0xb8;
	[tilespmem:$0xF7D0] =	vst v63  }
.Ltmp4:
0x36: {  	_ = 	snop;
	(pc) =	sbr.rel @p1 .LBB2_6-.Ltmp4, $4  }
0x37: {  	_ = 	snop  }
0x38: {  	s15 =	sadd.s32 $0x200, s15  }
0x39: {  	_ =	swait.ge [sflag:s11], $0x7D0  }
0x3a: {  	[sflag:s11] =	ssyncset.done $0x0  }
.Ltmp5:
0x3b: {  	(pc) =	sbr.rel @p0 .LBB2_11-.Ltmp5, $3  }
0x3c: {  	_ = 	snop  }
0x3d: {  	[sflag:s11] =	ssyncadd.s32 $0xFFFFF830  }
0x3e: {  	[bflag:$0x0] =	sbarrier.arrive $0xFFFF;
	_ =	sdelay $0x1  }
0x3f: {  	[tilespmem:s10], [sflag:$0x1] =	stream.linear.gather [spmem:s4], $0x5000, $0x38;
	[tilespmem:$0xF7D0] =	vst v63  }
0x40: {  	_ =	swait.ge [sflag:s11], $0x5000  }
0x41: {  	[sflag:s11] =	ssyncset.done $0x0  }
0x42: {  	s15 =	simm.s32 $0x0;
	s16 =	simm.s32 $0x40;
	[sflag:s11] =	ssyncadd.s32 $0xFFFFB000  }
.LBB2_9:
0x43: {  	p1 =	sne.s32 s16, $0x13FC0;
	v2 =	vld [tilespmem:s15+$0x57D0];
	_ =	sdelay $0x4  }
0x44: {  	v2 =	vmax.f32 v2, $1.000000000e+00  }
0x45: {  	(erf) = vrcp.f32 v2;
	_ =	sdelay $0x5  }
.Ltmp6:
0x46: {  	(pc) =	sbr.rel @p1 .LBB2_9-.Ltmp6, $3  }
0x47: {  	_ =	sdelay $0x1  }
0x48: {  	v2 =	vpop (erf)  }
0x49: {  	[tilespmem:s15+$0x57D0] =	vst v2;
	s15 =	sshra.s32 s16, $0x2;
	s16 =	sadd.s32 $0x40, s16  }
0x4a: {  	v2 =	vld [tilespmem:s15+$0x57D0];
	_ =	sdelay $0x4  }
0x4b: {  	v2 =	vmax.f32 v2, $1.000000000e+00  }
0x4c: {  	(erf) = vrcp.f32 v2;
	_ =	sdelay $0x8  }
0x4d: {  	v2 =	vpop (erf)  }
.Ltmp7:
0x4e: {  	[tilespmem:s15+$0x57D0] =	vst v2;
	(pc) =	sbr.rel .LBB2_14-.Ltmp7, $4  }
0x4f: {  	[hbm4b:s7+s3] =	stream.linear.scatter [tilespmem:s10], [sflag:$0x1], $0x5000, $0x38;
	[tilespmem:$0xF7D0] =	vst v63  }
0x50: {  	_ =	swait.ge [sflag:s11], $0x5000  }
0x51: {  	[sflag:s11] =	ssyncset.done $0x0  }
0x52: {  	[sflag:s11] =	ssyncadd.s32 $0xFFFFB000  }
.LBB2_11:
0x53: {  	[tilespmem:s10], [sflag:$0x1] =	stream.linear.gather [spmem:s5], $0x2800, $0x38;
	[tilespmem:$0xF7D0] =	vst v63  }
0x54: {  	_ =	swait.ge [sflag:s11], $0x2800  }
0x55: {  	[sflag:s11] =	ssyncset.done $0x0  }
0x56: {  	s15 =	simm.s32 $0x0;
	s16 =	simm.s32 $0x40;
	[sflag:s11] =	ssyncadd.s32 $0xFFFFD800  }
.LBB2_12:
0x57: {  	p1 =	sne.s32 s16, $0x9FC0;
	v2 =	vld [tilespmem:s15+$0x57D0];
	_ =	sdelay $0x4  }
0x58: {  	v2 =	vmax.f32 v2, $1.000000000e+00  }
0x59: {  	(erf) = vrcp.f32 v2;
	_ =	sdelay $0x5  }
.Ltmp8:
0x5a: {  	(pc) =	sbr.rel @p1 .LBB2_12-.Ltmp8, $3  }
0x5b: {  	_ =	sdelay $0x1  }
0x5c: {  	v2 =	vpop (erf)  }
0x5d: {  	[tilespmem:s15+$0x57D0] =	vst v2;
	s15 =	sshra.s32 s16, $0x2;
	s16 =	sadd.s32 $0x40, s16  }
.Ltmp9:
0x5e: {  	_ = 	snop;
	(pc) =	sbr.rel .LBB2_13-.Ltmp9, $1  }
0x5f: {  	_ =	sdelay $0x3  }
.LBB2_15:
0x60: {  	_ =	sfence.sel $0x180000  }
0x61: {  	[bflag:$0x0] =	sbarrier.arrive $0xFFFF  }
0x62: {  	p0 =	sne.s32 s1, $0x0;
	_ =	strace $0x90000047  }
0x63: {  	s0 =	sadd.s32 @!p0 $0x100000, s0;
	[bflag:$0x2] =	sbarrier.arrive $0xFFFF  }
0x64: {  	[sflag:s0] =	ssyncadd.tile.s32 @!p0 $0x1;
	_ =	shalt  }
.Lfunc_end2:
_tile_overlayer_lowered:
.L_overlay_start_2:
0x65: {  	(tag) =	ssettag $0x2  }
0x66: {  	s0 =	rddreg [dreg:$0x0];
	s2 =	stileid.u32  }
0x67: {  	s1 =	rddreg [dreg:$0x1];
	p0 =	sne.s32 s2, $0x0  }
0x68: {  	s3 =	rddreg [dreg:$0x2];
	[bflag:$0x3] =	sbarrier.arrive $0xFFFF;
	s2 =	simm.s32 @!p0 $0x1C01  }
0x69: {  	[timem:s3], [sflag:s2] =	dma.local @!p0 [hbm:s0], s1  }
0x6a: {  	s0 =	simm.s32 @!p0 $0x1  }
0x6b: {  	_ =	swait.ge @!p0 [sflag:s0], s1  }
0x6c: {  	s1 =	ssub.s32 @!p0 $0x0, s1;
	[sflag:s0] =	ssyncset.done @!p0 $0x0  }
0x6d: {  	[sflag:s0] =	ssyncadd.s32 @!p0 s1  }
0x6e: {  	[bflag:$0x3] =	sbarrier.arrive $0xFFFF  }
0x6f: {  	_ =	shalt  }

</sc_bundles>
